<compile_context>
chip_gen: v7x
topology: tpu7x:2x2x1
jax: 0.10.2.dev20260603
libtpu: 0.0.44.dev20260713+nightly
codegen_flags: <defaults>
</compile_context>

<pallas_src>
import jax
import jax.numpy as jnp
from jax.experimental import pallas as pl

_ROWS = 2048


def _fused_body(a_ref, bo_ref, w1_ref, w2_ref, b_ref, o_ref):
    acc = jnp.dot(a_ref[...], w1_ref[...], preferred_element_type=jnp.float32)
    acc = acc + jnp.dot(bo_ref[...], w2_ref[...], preferred_element_type=jnp.float32)
    o_ref[...] = jnp.maximum(acc + b_ref[...], 0.0)


def kernel(atoms, bonds, W_deg, b_deg, W_self, b_self, edges):
    B, A, F_ATOM = atoms.shape
    D, F_BOND = bonds.shape[2], bonds.shape[3]
    CONV = W_self.shape[1]
    N = B * A

    atoms2 = atoms.reshape(N, F_ATOM)
    bonds2 = bonds.reshape(N, D * F_BOND)
    w_atom = W_self[:F_ATOM]
    w_bond = jnp.concatenate([W_self[F_ATOM:]] * D, axis=0)
    bias = b_self.reshape(1, CONV)

    rows = _ROWS if N % _ROWS == 0 else A
    out = pl.pallas_call(
        _fused_body,
        grid=(N // rows,),
        in_specs=[
            pl.BlockSpec((rows, F_ATOM), lambda i: (i, 0)),
            pl.BlockSpec((rows, D * F_BOND), lambda i: (i, 0)),
            pl.BlockSpec((F_ATOM, CONV), lambda i: (0, 0)),
            pl.BlockSpec((D * F_BOND, CONV), lambda i: (0, 0)),
            pl.BlockSpec((1, CONV), lambda i: (0, 0)),
        ],
        out_specs=pl.BlockSpec((rows, CONV), lambda i: (i, 0)),
        out_shape=jax.ShapeDtypeStruct((N, CONV), jnp.float32),
    )(atoms2, bonds2, w_atom, w_bond, bias)
    return out.reshape(B, A, CONV)

# --- scband reference (transcript-rebuilt; emitter-appended) ---
"""Pipeline reference for scband-tied-graph-autoencoder-32427003085613 (READ-ONLY COPY).

The authoritative reference and input builder live on the scoring server;
editing this copy changes nothing except your own understanding.
"""

import jax, jax.numpy as jnp
import numpy as np

B, A, D, F_ATOM, F_BOND, CONV = 1024, 100, 5, 128, 16, 128
F_IN = F_ATOM + F_BOND


def setup_inputs(seed: int = 0) -> dict:
    key = jax.random.key(seed)
    ks = jax.random.split(key, 7)
    atoms = jax.random.normal(ks[0], (B, A, F_ATOM), dtype=jnp.float32)
    bonds = jax.random.normal(ks[1], (B, A, D, F_BOND), dtype=jnp.float32)
    edges = jax.random.randint(ks[2], (B, A, D), 0, A).astype(jnp.int32)
    W_deg = jax.random.normal(ks[3], (D, F_IN, CONV), dtype=jnp.float32) * (1.0 / np.sqrt(F_IN))
    b_deg = jnp.zeros((D, CONV), dtype=jnp.float32)
    W_self = jax.random.normal(ks[4], (F_IN, CONV), dtype=jnp.float32) * (1.0 / np.sqrt(F_IN))
    b_self = jnp.zeros((CONV,), dtype=jnp.float32)
    return {"atoms": atoms, "bonds": bonds, "W_deg": W_deg, "b_deg": b_deg, "W_self": W_self, "b_self": b_self, "edges": edges}


def _neighbour_lookup(atoms, edges):
    # edges use -1 as padding; shift by +1 and gather from zero-padded atoms
    masked_edges = edges + 1
    masked_atoms = jnp.pad(atoms, ((0, 0), (1, 0), (0, 0)))
    b, lookup_size, nf = masked_atoms.shape
    offset = (jnp.arange(b, dtype=jnp.int32) * lookup_size).reshape(b, 1, 1)
    flat_atoms = masked_atoms.reshape(-1, nf)
    flat_edges = (masked_edges + offset).reshape(b, -1)
    out = jnp.take(flat_atoms, flat_edges, axis=0)
    return out.reshape(b, edges.shape[1], edges.shape[2], nf)


def reference(atoms, bonds, W_deg, b_deg, W_self, b_self, edges):
    # mask_atoms_by_degree
    atom_degrees = jnp.sum((edges != -1).astype(jnp.float32), axis=-1, keepdims=True)  # (B, A, 1)
    neigh = _neighbour_lookup(atoms, edges)                  # (B, A, D, F_ATOM)
    summed_atom = jnp.sum(neigh, axis=2)                     # (B, A, F_ATOM)
    summed_bonds = jnp.sum(bonds, axis=2)                    # (B, A, F_BOND)
    summed_features = jnp.concatenate([summed_atom, summed_bonds], axis=-1)  # (B, A, F_IN)
    # create_layer_by_deg: per-degree TimeDistributed Dense, masked by atom degree, then added
    zni = jnp.zeros((atoms.shape[0], atoms.shape[1], W_deg.shape[-1]), dtype=jnp.float32)
    for degree in range(W_deg.shape[0]):
        mask = (atom_degrees == degree).astype(jnp.float32)
        new_unmasked = jax.nn.relu(jnp.einsum('baf,fc->bac', summed_features, W_deg[degree]) + b_deg[degree])
        zni = zni + mask * new_unmasked
    # self path
    vxi = jnp.concatenate([atoms, summed_bonds], axis=-1)
    zxi = jax.nn.relu(jnp.einsum('baf,fc->bac', vxi, W_self) + b_self)
    return zni + zxi

if __name__ == "__main__":
    import jax
    _d = setup_inputs()
    print(jax.jit(kernel)(*tuple(_d.values())))

</pallas_src>

<mosaic_0001>
module attributes {stable_mosaic.version = 14 : i64} {
  func.func @_fused_body(%arg0: i32, %arg1: memref<2048x128xf32, #tpu.memory_space<vmem>>, %arg2: memref<2048x80xf32, #tpu.memory_space<vmem>>, %arg3: memref<128x128xf32, #tpu.memory_space<vmem>>, %arg4: memref<80x128xf32, #tpu.memory_space<vmem>>, %arg5: memref<1x128xf32, #tpu.memory_space<vmem>>, %arg6: memref<2048x128xf32, #tpu.memory_space<vmem>>) attributes {dimension_semantics = [#tpu.dimension_semantics<arbitrary>], iteration_bounds = array<i64: 50>, scalar_prefetch = 0 : i64, scratch_operands = 0 : i64, tpu.core_type = #tpu.core_type<tc>, window_params = [{transform_indices = @transform_0, window_bounds = array<i64: 2048, 128>}, {transform_indices = @transform_1, window_bounds = array<i64: 2048, 80>}, {pipeline_mode = #tpu.pipeline_mode<synchronous>, transform_indices = @transform_2, window_bounds = array<i64: 128, 128>}, {pipeline_mode = #tpu.pipeline_mode<synchronous>, transform_indices = @transform_3, window_bounds = array<i64: 80, 128>}, {pipeline_mode = #tpu.pipeline_mode<synchronous>, transform_indices = @transform_4, window_bounds = array<i64: 1, 128>}, {transform_indices = @transform_5, window_bounds = array<i64: 2048, 128>}]} {
    %get3A = arith.constant 0 : index
    %get3A_0 = arith.constant 0 : index
    %get3A_1 = vector.load %arg1[%get3A, %get3A_0] : memref<2048x128xf32, #tpu.memory_space<vmem>>, vector<2048x128xf32>
    %get3A_2 = arith.constant 0 : index
    %get3A_3 = arith.constant 0 : index
    %get3A_4 = vector.load %arg3[%get3A_2, %get3A_3] : memref<128x128xf32, #tpu.memory_space<vmem>>, vector<128x128xf32>
    %dot_general3A = arith.constant dense<0.000000e+00> : vector<2048x128xf32>
    %dot_general3A_5 = tpu.matmul %get3A_1, %get3A_4, %dot_general3A {dimension_numbers = #tpu.dot_dimension_numbers<[1], [0], [0], [1], [0, 0, 1, 1], [], []>, transpose_lhs_hint = false} : vector<2048x128xf32>, vector<128x128xf32>, vector<2048x128xf32> -> vector<2048x128xf32>
    %get3A_6 = arith.constant 0 : index
    %get3A_7 = arith.constant 0 : index
    %get3A_8 = vector.load %arg2[%get3A_6, %get3A_7] : memref<2048x80xf32, #tpu.memory_space<vmem>>, vector<2048x80xf32>
    %get3A_9 = arith.constant 0 : index
    %get3A_10 = arith.constant 0 : index
    %get3A_11 = vector.load %arg4[%get3A_9, %get3A_10] : memref<80x128xf32, #tpu.memory_space<vmem>>, vector<80x128xf32>
    %dot_general3A_12 = arith.constant dense<0.000000e+00> : vector<2048x128xf32>
    %dot_general3A_13 = tpu.matmul %get3A_8, %get3A_11, %dot_general3A_12 {dimension_numbers = #tpu.dot_dimension_numbers<[1], [0], [0], [1], [0, 0, 1, 1], [], []>, transpose_lhs_hint = false} : vector<2048x80xf32>, vector<80x128xf32>, vector<2048x128xf32> -> vector<2048x128xf32>
    %add3A = arith.addf %dot_general3A_5, %dot_general3A_13 : vector<2048x128xf32>
    %get3A_14 = arith.constant 0 : index
    %get3A_15 = arith.constant 0 : index
    %get3A_16 = vector.load %arg5[%get3A_14, %get3A_15] : memref<1x128xf32, #tpu.memory_space<vmem>>, vector<1x128xf32>
    %add3A_17 = vector.broadcast %get3A_16 : vector<1x128xf32> to vector<2048x128xf32>
    %add3A_18 = arith.addf %add3A, %add3A_17 : vector<2048x128xf32>
    %max3A = arith.constant 0.000000e+00 : f32
    %max3A_19 = vector.broadcast %max3A : f32 to vector<2048x128xf32>
    %max3A_20 = arith.maximumf %add3A_18, %max3A_19 : vector<2048x128xf32>
    %swap3A = arith.constant 0 : index
    %swap3A_21 = arith.constant 0 : index
    %swap3A_22 = vector.load %arg6[%swap3A, %swap3A_21] : memref<2048x128xf32, #tpu.memory_space<vmem>>, vector<2048x128xf32>
    tpu.vector_store %arg6[%swap3A, %swap3A_21], %max3A_20 {strides = array<i32>} : memref<2048x128xf32, #tpu.memory_space<vmem>>, vector<2048x128xf32>,
    return
  }
  func.func @transform_0(%arg0: i32) -> (i32, i32) {
    %c0_i32 = arith.constant 0 : i32
    %c0_i32_0 = arith.constant 0 : i32
    return %arg0, %c0_i32 : i32, i32
  }
  func.func @transform_1(%arg0: i32) -> (i32, i32) {
    %c0_i32 = arith.constant 0 : i32
    %c0_i32_0 = arith.constant 0 : i32
    return %arg0, %c0_i32 : i32, i32
  }
  func.func @transform_2(%arg0: i32) -> (i32, i32) {
    %c0_i32 = arith.constant 0 : i32
    %c0_i32_0 = arith.constant 0 : i32
    %c0_i32_1 = arith.constant 0 : i32
    return %c0_i32, %c0_i32_0 : i32, i32
  }
  func.func @transform_3(%arg0: i32) -> (i32, i32) {
    %c0_i32 = arith.constant 0 : i32
    %c0_i32_0 = arith.constant 0 : i32
    %c0_i32_1 = arith.constant 0 : i32
    return %c0_i32, %c0_i32_0 : i32, i32
  }
  func.func @transform_4(%arg0: i32) -> (i32, i32) {
    %c0_i32 = arith.constant 0 : i32
    %c0_i32_0 = arith.constant 0 : i32
    %c0_i32_1 = arith.constant 0 : i32
    return %c0_i32, %c0_i32_0 : i32, i32
  }
  func.func @transform_5(%arg0: i32) -> (i32, i32) {
    %c0_i32 = arith.constant 0 : i32
    %c0_i32_0 = arith.constant 0 : i32
    return %arg0, %c0_i32 : i32, i32
  }
}

</mosaic_0001>

<sc_bundles>
// kernel: sparse-core-data-format-call.cloned.1.call-start
scs
called_computation_lowered:
.L_overlay_start_0:
0x0: {  	s2 =	sld [smem:$0x3FD9]  }
0x1: {  	s3 =	sld [smem:$0x3FFE];
	_ =	sdelay $0x1  }
0x2: {  	s1 =	srdreg.scid  }
0x3: {  	s0 =	sand.u32 $0x1, s1  }
0x4: {  	s18 =	sshll.u32 s0, $0xA;
	s2 =	sadd.s32 s3, s2  }
0x5: {  	s2 =	sadd.s32 s2, s18  }
0x6: {  	[smem:$0x3FC4] =	sst s2  }
0x7: {  	_ = 	snop  }
0x8: {  	s2 =	sld [smem:$0x3FD0];
	(tm) =	ssettm $0x1  }
0x9: {  	s19 =	sld [smem:$0x3FFB];
	_ =	sdelay $0x3  }
0xa: {  	_ =	strace s19  }
0xb: {  	s3 =	sld [smem:$0x3FFC];
	_ =	sdelay $0x3  }
0xc: {  	_ =	strace s3  }
0xd: {  	s3 =	sld [smem:$0x3FFD];
	_ =	sdelay $0x3  }
0xe: {  	_ =	strace s3  }
0xf: {  	_ =	strace $0x8FFFFFFF  }
0x10: {  	s20 =	sld [smem:$0x3FDB];
	_ =	sdelay $0x1  }
0x11: {  	s4 =	simm.s32 $_scs_section_size  }
0x12: {  	s5 =	simm.s32 $_size__tile_overlayer_lowered;
	s6 =	simm.s32 $_tile_overlayer_lowered  }
0x13: {  	s23 =	simm.s32 $0x1BFF;
	s22 =	sshll.u32 s6, $0x1;
	s3 =	sadd.s32 s4, s20  }
0x14: {  	s7 =	simm.s32 $0x0;
	s21 =	sshll.u32 s5, $0x1;
	s5 =	sadd.s32 s22, s3  }
0x15: {  	[timem:s7], [sflag:s23] =	dma.local [hbm:s5], s21  }
0x16: {  	_ =	swait.ge [sflag:s23], s21  }
0x17: {  	s4 =	ssub.s32 $0x0, s21;
	[sflag:s23] =	ssyncset.done $0x0  }
0x18: {  	[sflag:s23] =	ssyncadd.s32 s4;
	_ =	sdelay $0x1  }
0x19: {  	s24 =	simm.s32 $0x1B8B  }
0x1a: {  	_ =	swait.ge [sflag:s24], $0x1  }
0x1b: {  	[sflag:s24] =	ssyncset.done $0x0  }
0x1c: {  	s26 =	simm.s32 $0x1B8E;
	s25 =	sld [smem:$0x3FFE];
	[sflag:s24] =	ssyncadd.s32 $0xFFFFFFFF  }
0x1d: {  	s27 =	simm.s32 $execute0_lowered;
	[smem:$0x3FD2] =	sst s26  }
0x1e: {  	s5 =	sshll.u32 s27, $0x1;
	_ =	strace $0x80000046;
	[dreg:$0x1] =	wrdreg $0xFFFFFFFF  }
0x1f: {  	s28 =	simm.s32 $_size_execute0_lowered;
	s3 =	sadd.s32 s3, s5;
	[dreg:$0x0] =	wrdreg $0x0  }
0x20: {  	s5 =	sshll.u32 s28, $0x1;
	[dreg:$0x2] =	wrdreg s3  }
0x21: {  	[dreg:$0x3] =	wrdreg s5  }
0x22: {  	[dreg:$0x4] =	wrdreg $0xC0  }
0x23: {  	_ =	task [dreg:s7], $0x5FFFF  }
0x24: {  	[dreg:$0x1] =	wrdreg $0xFFFFFFFF  }
0x25: {  	[dreg:$0x0] =	wrdreg $0x60  }
0x26: {  	[dreg:$0x2] =	wrdreg s25  }
0x27: {  	[dreg:$0x3] =	wrdreg s2  }
0x28: {  	[dreg:$0x4] =	wrdreg $0x9  }
0x29: {  	_ =	task.clear_ibuf [dreg:s7], $0x5FFFF;
	_ =	strace $0x90000046  }
0x2a: {  	s29 =	simm.s32 $0x9;
	_ =	strace $0x80000048  }
0x2b: {  	_ =	swait.ge [sflag:s29], $0x1  }
0x2c: {  	[sflag:s29] =	ssyncadd.s32 $0xFFFFFFFF  }
0x2d: {  	_ =	strace $0x90000048  }
0x2e: {  	_ =	sfence  }
0x2f: {  	s30 =	sld [smem:$0x0];
	_ =	sdelay $0x2  }
0x30: {  	s31 =	sshll.u32 s1, $0xD;
	s1 =	sshrl.u32 s1, $0x2  }
0x31: {  	s3 =	sand.u32 $0x4000, s31;
	s1 =	sadd.s32 s1, s30  }
0x32: {  	s0 =	sor.u32 s3, s0;
	s1 =	sshll.u32 s1, $0x11  }
0x33: {  	s0 =	sor.u32 s1, s0  }
0x34: {  	s0 =	sadd.s32 $0x8F2B, s0  }
0x35: {  	[sflag:s0] =	ssyncadd.remote.s32 $0x1  }
0x36: {  	_ =	sfence.sel $0xFFFF  }
0x37: {  	[dreg:$0x0] =	wrdreg $0xFFFFFFFF;
	(pc) =	sbr.abs _section_cstart, $3  }
0x38: {  	[dreg:$0x1] =	wrdreg $0xFFFFFFFF  }
0x39: {  	_ =	task.clear_ibuf [dreg:s7], $0x2FFFF;
	_ =	strace $0x9FFFFFFF  }
0x3a: {  	(tm) =	ssettm $0x7FFFFFFF  }
0x3b: {  	_ =	shalt  }
tec
execute0_lowered:
.L_overlay_start_1:
0x0: {  	(tag) =	ssettag $0x1  }
0x1: {  	s0 =	srdreg.scid  }
0x2: {  	s1 =	sshll.u32 s0, $0x4  }
0x3: {  	s0 =	stileid.u32;
	s1 =	sand.u32 $0x10, s1  }
0x4: {  	s6 =	rddreg [dreg:$0x0];
	s1 =	sor.u32 s0, s1  }
0x5: {  	s4 =	simm.s32 $0x1;
	s7 =	simm.s32 $0x2;
	s2 =	sshll.u32 s1, $0x5  }
0x6: {  	s14 =	simm.s32 $0x0;
	s8 =	simm.s32 $0x1000;
	s1 =	ssub.s32 $0x400, s2  }
0x7: {  	s9 =	simm.s32 $0x20000;
	s10 =	simm.s32 $0x0;
	s3 =	sand.u32 $0x3E0, s1  }
0x8: {  	s15 =	simm.s32 $0x0;
	s5 =	sshrl.u32 s1, $0xA;
	p0 =	sne.s32 s3, $0x0  }
.Ltmp0:
0x9: {  	s1 =	rddreg [dreg:$0x2];
	s4 =	simm.s32 @!p0 $0x0;
	(pc) =	sbr.rel .LBB1_1-.Ltmp0, $4  }
0xa: {  	s11 =	simm.s32 $0x0;
	s3 =	rddreg [dreg:$0x1];
	s5 =	sadd.s32 s4, s5  }
0xb: {  	_ =	strace $0x80000047;
	s4 =	simm.s32 $0x1;
	s5 =	smul.u32 $0x19, s5  }
0xc: {  	s13 =	simm.s32 $0x0;
	s6 =	sadd.s32 $0x322600, s6;
	[sflag:s4] =	ssyncpa.u1 $0x0  }
0xd: {  	s12 =	smov.u32 s2;
	[sflag:s7] =	ssyncpa.u1 $0x0;
	s7 =	sadd.s32 $0x1, s5  }
.LBB1_7:
0xe: {  	s16 =	sadd.s32 $0x4, s11  }
0xf: {  	s14 =	sadd.s32 $0x400, s12;
	s18 =	smov.u32 s12;
	p1 =	sgt.s32 s16, $0x63  }
0x10: {  	s18 =	smov.u32 @p1 s14  }
0x11: {  	s16 =	simm.s32 @p1 $0x0;
	p1 =	sgt.s32 s18, $0x3FF  }
0x12: {  	s18 =	smov.u32 @p1 s2;
	p1 =	sne.s32 s13, s7  }
.Ltmp1:
0x13: {  	p0 =	slt.u32 s13, $0x2;
	(pc) =	sbr.rel @!p1 .LBB1_8-.Ltmp1, $4  }
0x14: {  	s17 =	simm.s32 @!p0 $0x2  }
0x15: {  	s15 =	smov.u32 s12;
	s10 =	sadd.s32 $0x4000, s10;
	_ =	swait.ge @!p0 [sflag:s17], $0x4000  }
0x16: {  	s14 =	smov.u32 s11;
	[sflag:s17] =	ssyncset.done @!p0 $0x0;
	s11 =	smov.u32 s16  }
0x17: {  	s13 =	sadd.s32 $0x1, s13;
	[sflag:s17] =	ssyncadd.s32 @!p0 $0xFFFFC000;
	s12 =	smov.u32 s18  }
.LBB1_1:
0x18: {  	p0 =	sge.u32 s13, s5  }
0x19: {  	s16 =	sand.u32 @!p0 $0x1FFFFFF, s11  }
0x1a: {  	s17 =	smulhi.u32 @!p0 $0x2762763, s16;
	_ =	sdelay $0x1  }
0x1b: {  	s17 =	smul.u32 @!p0 $0x68, s17  }
0x1c: {  	s18 =	sxor.u32 @!p0 $0xFFFFFFFF, s13;
	s19 =	smul.u32 @!p0 $0x680, s12  }
0x1d: {  	s31 =	sadd.s32 $0xFFFFFFFF, s13;
	s18 =	sshll.u32 @!p0 s18, $0xE;
	s16 =	ssub.s32 @!p0 s16, s17  }
0x1e: {  	s17 =	sand.u32 @!p0 $0x4000, s18;
	s18 =	sadd.s32 @!p0 s6, s19;
	s16 =	sshll.u32 @!p0 s16, $0x4  }
0x1f: {  	s19 =	simm.s32 @!p0 $0x3400;
	s16 =	sadd.s32 @!p0 s16, s18;
	s18 =	simm.s32 @!p0 $0x200  }
0x20: {  	[tilespmem:s17], [sflag:$0x1] =	stream.strided.gather @!p0 [hbm4b:s16+s18], $0x4000, s19, s18, $0x38;
	[tilespmem:$0x10000] =	vst v63  }
0x21: {  	p0 =	sge.u32 s31, s5  }
.Ltmp2:
0x22: {  	_ = 	snop;
	(pc) =	sbr.rel @p0 .LBB1_7-.Ltmp2, $1  }
0x23: {  	_ =	sdelay $0x3  }
0x24: {  	s17 =	sand.u32 $0x4000, s10  }
0x25: {  	_ =	swait.ge [sflag:s4], $0x4000;
	s19 =	sshll.u32 s13, $0xE;
	s16 =	sor.u32 $0x8040, s17  }
0x26: {  	s18 =	sor.u32 $0x40, s17;
	[sflag:s4] =	ssyncset.done $0x0;
	s31 =	sand.u32 $0x4000, s19  }
0x27: {  	s19 =	simm.s32 $0x0;
	[sflag:s4] =	ssyncadd.s32 $0xFFFFC000;
	s17 =	sor.u32 $0x8000, s31  }
.LBB1_3:
0x28: {  	v0 =	vmov s18;
	_ =	sdelay $0x3  }
0x29: {  	s21 =	simm.s32 $0x0  }
0x2a: {  	v6 =	vld.idx.msk [tilespmem:v0+s21+$0x30 ss:$0x1], $0xffff  }
0x2b: {  	v7 =	vld.idx.msk [tilespmem:v0+s21+$0xFFFFFFC0 ss:$0x1], $0xffff  }
0x2c: {  	v5 =	vld.idx.msk [tilespmem:v0+s21+$0xFFFFFFD0 ss:$0x1], $0xffff  }
0x2d: {  	v4 =	vld.idx.msk [tilespmem:v0+s21+$0xFFFFFFE0 ss:$0x1], $0xffff  }
0x2e: {  	v3 =	vld.idx.msk [tilespmem:v0+s21+$0xFFFFFFF0 ss:$0x1], $0xffff  }
0x2f: {  	v1 =	vld.idx.msk [tilespmem:v0+s21+$0x0 ss:$0x1], $0xffff  }
0x30: {  	v2 =	vld.idx.msk [tilespmem:v0+s21+$0x10 ss:$0x1], $0xffff;
	[tilespmem:s16+$0x30] =	vst v6  }
0x31: {  	s20 =	simm.s32 $0x80;
	s22 =	simm.s32 $0x400;
	[tilespmem:s16+$0xFFFFFFC0] =	vst v7;
	v6 =	vld.idx.msk [tilespmem:v0+s21+$0x20 ss:$0x1], $0xffff;
	s21 =	smov.u32 s16  }
.LBB1_4:
0x32: {  	p0 =	sne.s32 s22, $0x600;
	v7 =	vld.idx.msk [tilespmem:v0+s20+$0x30 ss:$0x1], $0xffff;
	[tilespmem:s21+$0xFFFFFFD0] =	vst v5  }
0x33: {  	v8 =	vld.idx.msk [tilespmem:v0+s20+$0xFFFFFFC0 ss:$0x1], $0xffff;
	[tilespmem:s21+$0xFFFFFFE0] =	vst v4  }
0x34: {  	v5 =	vld.idx.msk [tilespmem:v0+s20+$0xFFFFFFD0 ss:$0x1], $0xffff;
	[tilespmem:s21+$0xFFFFFFF0] =	vst v3  }
.Ltmp3:
0x35: {  	v4 =	vld.idx.msk [tilespmem:v0+s20+$0xFFFFFFE0 ss:$0x1], $0xffff;
	[tilespmem:s21+$0x0] =	vst v1;
	(pc) =	sbr.rel @p0 .LBB1_4-.Ltmp3, $4  }
0x36: {  	v3 =	vld.idx.msk [tilespmem:v0+s20+$0xFFFFFFF0 ss:$0x1], $0xffff;
	[tilespmem:s21+$0x10] =	vst v2  }
0x37: {  	v1 =	vld.idx.msk [tilespmem:v0+s20+$0x0 ss:$0x1], $0xffff;
	[tilespmem:s21+$0x20] =	vst v6;
	s21 =	sadd.s32 $0x1000, s21  }
0x38: {  	v2 =	vld.idx.msk [tilespmem:v0+s20+$0x10 ss:$0x1], $0xffff;
	[tilespmem:s21+$0x30] =	vst v7  }
0x39: {  	[tilespmem:s21+$0xFFFFFFC0] =	vst v8;
	v6 =	vld.idx.msk [tilespmem:v0+s20+$0x20 ss:$0x1], $0xffff;
	s20 =	sshra.s32 s22, $0x2;
	s22 =	sadd.s32 $0x200, s22  }
0x3a: {  	_ =	sdelay $0x2  }
0x3b: {  	[tilespmem:s21+$0xFFFFFFD0] =	vst v5  }
0x3c: {  	v56 =	vld.idx.msk [tilespmem:v0+s20+$0x30 ss:$0x1], $0xffff;
	[tilespmem:s21+$0xFFFFFFE0] =	vst v4  }
0x3d: {  	v57 =	vld.idx.msk [tilespmem:v0+s20+$0xFFFFFFC0 ss:$0x1], $0xffff;
	[tilespmem:s21+$0xFFFFFFF0] =	vst v3  }
0x3e: {  	v58 =	vld.idx.msk [tilespmem:v0+s20+$0xFFFFFFD0 ss:$0x1], $0xffff;
	[tilespmem:s21+$0x0] =	vst v1  }
0x3f: {  	v59 =	vld.idx.msk [tilespmem:v0+s20+$0xFFFFFFE0 ss:$0x1], $0xffff;
	[tilespmem:s21+$0x10] =	vst v2  }
0x40: {  	v60 =	vld.idx.msk [tilespmem:v0+s20+$0xFFFFFFF0 ss:$0x1], $0xffff;
	s31 =	sadd.s32 $0x1000, s21;
	[tilespmem:s21+$0x20] =	vst v6  }
0x41: {  	v61 =	vld.idx.msk [tilespmem:v0+s20+$0x0 ss:$0x1], $0xffff;
	[tilespmem:s31+$0x30] =	vst v56  }
0x42: {  	v62 =	vld.idx.msk [tilespmem:v0+s20+$0x10 ss:$0x1], $0xffff;
	s19 =	sadd.s32 $0x1, s19;
	[tilespmem:s31+$0xFFFFFFC0] =	vst v57  }
0x43: {  	v63 =	vld.idx.msk [tilespmem:v0+s20+$0x20 ss:$0x1], $0xffff;
	p0 =	sne.s32 s19, $0x20;
	[tilespmem:s31+$0xFFFFFFD0] =	vst v58  }
.Ltmp4:
0x44: {  	[tilespmem:s31+$0xFFFFFFE0] =	vst v59;
	(pc) =	sbr.rel @p0 .LBB1_3-.Ltmp4, $4  }
0x45: {  	[tilespmem:s31+$0xFFFFFFF0] =	vst v60  }
0x46: {  	[tilespmem:s31+$0x0] =	vst v61  }
0x47: {  	[tilespmem:s31+$0x10] =	vst v62  }
0x48: {  	s16 =	sadd.s32 $0x80, s16;
	s18 =	sadd.s32 $0x200, s18;
	[tilespmem:s31+$0x20] =	vst v63  }
.Ltmp5:
0x49: {  	s15 =	sshll.u32 s15, $0x4;
	(pc) =	sbr.rel .LBB1_7-.Ltmp5, $4  }
0x4a: {  	s15 =	sand.u32 $0x3FF0, s15  }
0x4b: {  	s14 =	sshll.u32 s14, $0xE;
	s15 =	sadd.s32 s3, s15  }
0x4c: {  	s14 =	sadd.s32 s14, s15  }
0x4d: {  	[hbm4b:s14+s8] =	stream.strided.scatter [tilespmem:s17], [sflag:$0x2], $0x4000, s9, s8, $0x38;
	[tilespmem:$0x10000] =	vst v63  }
.LBB1_8:
0x4e: {  	_ =	sfence.sel $0x180000  }
0x4f: {  	s2 =	simm.s32 $0x1;
	[bflag:$0x0] =	sbarrier.arrive $0xFFFF  }
0x50: {  	s31 =	simm.s32 $0x2;
	[sflag:s2] =	ssyncpa.u1 $0x1  }
0x51: {  	[sflag:s31] =	ssyncpa.u1 $0x1  }
0x52: {  	p0 =	sne.s32 s0, $0x0;
	_ =	strace $0x90000047  }
0x53: {  	s0 =	sadd.s32 @!p0 $0x100000, s1;
	[bflag:$0x2] =	sbarrier.arrive $0xFFFF  }
0x54: {  	[sflag:s0] =	ssyncadd.tile.s32 @!p0 $0x1;
	_ =	shalt  }
.Lfunc_end1:
_tile_overlayer_lowered:
.L_overlay_start_2:
0x55: {  	(tag) =	ssettag $0x2  }
0x56: {  	s0 =	rddreg [dreg:$0x0];
	s2 =	stileid.u32  }
0x57: {  	s1 =	rddreg [dreg:$0x1];
	p0 =	sne.s32 s2, $0x0  }
0x58: {  	s3 =	rddreg [dreg:$0x2];
	[bflag:$0x3] =	sbarrier.arrive $0xFFFF;
	s2 =	simm.s32 @!p0 $0x1C01  }
0x59: {  	[timem:s3], [sflag:s2] =	dma.local @!p0 [hbm:s0], s1  }
0x5a: {  	s0 =	simm.s32 @!p0 $0x1  }
0x5b: {  	_ =	swait.ge @!p0 [sflag:s0], s1  }
0x5c: {  	s1 =	ssub.s32 @!p0 $0x0, s1;
	[sflag:s0] =	ssyncset.done @!p0 $0x0  }
0x5d: {  	[sflag:s0] =	ssyncadd.s32 @!p0 s1  }
0x5e: {  	[bflag:$0x3] =	sbarrier.arrive $0xFFFF  }
0x5f: {  	_ =	shalt  }

</sc_bundles>
